<compile_context>
chip_gen: v7x
topology: tpu7x:2x2x1
jax: 0.10.2.dev20260603
libtpu: 0.0.44.dev20260713+nightly
codegen_flags: <defaults>
</compile_context>

<pallas_src>
import jax
import jax.numpy as jnp
from jax import lax
from jax.experimental import pallas as pl
from jax.experimental.pallas import tpu as pltpu
from jax.experimental.pallas import tpu_sc as plsc

N = 20000
NUM_TILES = 32
ROWS_PER_TILE = 640
NUM_GROUPS = ROWS_PER_TILE // 16
MAX_BASE_LIN = N - ROWS_PER_TILE
MAX_BASE_2D = 19456
BETA = 1.0 / 9.0

_LOG1P_C = (
    1.693662625257275e-06, 0.9998325705528259, -0.4972033202648163,
    0.31504127383232117, -0.18901954591274261, 0.08152318000793457,
    -0.01702961139380932,
)


def _tile_body(logits_hbm, er_hbm, tgt_hbm, lab_hbm, out_hbm,
               l01_v, er_v, tgt_v, lab_v, acc_v, sem):
    c = lax.axis_index("c")
    s = lax.axis_index("s")
    gid = s * 2 + c
    nominal = gid * ROWS_PER_TILE
    base = jnp.minimum(nominal, MAX_BASE_LIN)
    off = nominal - base
    base2 = jnp.minimum(nominal, MAX_BASE_2D)
    off2 = nominal - base2

    R = ROWS_PER_TILE
    cps_ce = [
        pltpu.async_copy(logits_hbm.at[:, pl.ds(base2, R)], l01_v, sem),
        pltpu.async_copy(lab_hbm.at[pl.ds(base, R)], lab_v, sem),
    ]
    cps_reg = [
        pltpu.async_copy(er_hbm.at[:, pl.ds(base2, R)], er_v, sem),
        pltpu.async_copy(tgt_hbm.at[:, pl.ds(base2, R)], tgt_v, sem),
    ]
    for cp in cps_ce:
        cp.wait()
    for cp in cps_reg:
        cp.wait()

    inv_n = jnp.float32(1.0 / N)

    def group(g, carry):
        acc_ce, acc_sl = carry
        valid = nominal + g * 16 < N
        lrow = jnp.minimum(off + g * 16, ROWS_PER_TILE - 16)
        lrow2 = jnp.minimum(off2 + g * 16, ROWS_PER_TILE - 16)
        lab = lab_v[pl.ds(lrow, 16)]
        labf = lab.astype(jnp.float32)
        l0 = l01_v[0, pl.ds(lrow2, 16)]
        l1 = l01_v[1, pl.ds(lrow2, 16)]
        gm = (l1 - l0) * (1.0 - 2.0 * labf)
        t = jnp.exp(-jnp.abs(gm))
        p = jnp.float32(_LOG1P_C[6])
        for ck in _LOG1P_C[5::-1]:
            p = p * t + jnp.float32(ck)
        ce = jnp.maximum(gm, 0.0) + p
        sl_sum = jnp.zeros((16,), jnp.float32)
        for j in range(6):
            er = er_v[6 + j, pl.ds(lrow2, 16)]
            tgt = tgt_v[j, pl.ds(lrow2, 16)]
            d = er - tgt
            a = jnp.abs(d)
            sl_sum = sl_sum + jnp.where(
                a < BETA, (0.5 / BETA) * d * d, a - 0.5 * BETA)
        return (acc_ce + jnp.where(valid, ce, 0.0),
                acc_sl + jnp.where(valid, sl_sum * labf, 0.0))

    acc_ce, acc_sl = lax.fori_loop(
        0, NUM_GROUPS, group,
        (jnp.zeros((16,), jnp.float32), jnp.zeros((16,), jnp.float32)))

    acc_v[...] = acc_ce * inv_n
    pltpu.sync_copy(acc_v, out_hbm.at[pl.ds(gid * 16, 16)])
    acc_v[...] = acc_sl * inv_n
    pltpu.sync_copy(acc_v, out_hbm.at[pl.ds(512 + gid * 16, 16)])


_sc_call = pl.kernel(
    _tile_body,
    out_type=jax.ShapeDtypeStruct((1024,), jnp.float32),
    mesh=plsc.VectorSubcoreMesh(core_axis_name="c", subcore_axis_name="s"),
    compiler_params=pltpu.CompilerParams(
        needs_layout_passes=False, use_tc_tiling_on_sc=True,
        skip_device_barrier=True),
    scratch_types=[
        pltpu.VMEM((2, ROWS_PER_TILE), jnp.float32),
        pltpu.VMEM((12, ROWS_PER_TILE), jnp.float32),
        pltpu.VMEM((6, ROWS_PER_TILE), jnp.float32),
        pltpu.VMEM((ROWS_PER_TILE,), jnp.int32),
        pltpu.VMEM((16,), jnp.float32),
        pltpu.SemaphoreType.DMA,
    ],
)


@jax.jit
def kernel(class_logits, ellipse_regression, labels_cat, regression_targets):
    parts = _sc_call(
        class_logits.T,
        ellipse_regression.T,
        regression_targets.T,
        labels_cat.astype(jnp.int32),
    )
    return jnp.sum(parts[:512]), jnp.sum(parts[512:])

# --- scband reference (transcript-rebuilt; emitter-appended) ---
"""Pipeline reference for scband-ellipse-ro-iheads-77292231459158 (READ-ONLY COPY).

The authoritative reference and input builder live on the scoring server;
editing this copy changes nothing except your own understanding.
"""

import jax, jax.numpy as jnp
import numpy as np


def setup_inputs(seed: int = 0) -> dict:
    key = jax.random.key(seed)
    k1, k2, k3, k4 = jax.random.split(key, 4)
    N = 20000
    num_classes = 2
    class_logits = jax.random.normal(k1, (N, num_classes), dtype=jnp.float32)
    ellipse_regression = jax.random.normal(k2, (N, num_classes * 6), dtype=jnp.float32)
    labels_cat = jax.random.randint(k3, (N,), 0, num_classes)
    regression_targets = jax.random.normal(k4, (N, 6), dtype=jnp.float32)
    return {
        "class_logits": class_logits,
        "ellipse_regression": ellipse_regression,
        "labels_cat": labels_cat,
        "regression_targets": regression_targets,
    }


def reference(class_logits, ellipse_regression, labels_cat, regression_targets):
    # Faithful port of ellipse_rcnn_loss (training-path core of EllipseRoIHeads.forward)
    N, num_classes = class_logits.shape
    # classification_loss = F.cross_entropy(class_logits, labels_cat)  (mean reduction)
    logp = jax.nn.log_softmax(class_logits, axis=-1)
    picked = jnp.take_along_axis(logp, labels_cat[:, None], axis=1)[:, 0]
    loss_classifier = -jnp.mean(picked)
    # ellipse regression loss over positive proposals only
    pos_mask = labels_cat > 0
    er = ellipse_regression.reshape(N, ellipse_regression.shape[-1] // 6, 6)
    # gather per-proposal regression for its (positive) label; background rows masked out below
    pred = jnp.take_along_axis(er, labels_cat[:, None, None], axis=1)[:, 0, :]
    beta = 1.0 / 9.0
    diff = pred - regression_targets
    abs_d = jnp.abs(diff)
    sl1 = jnp.where(abs_d < beta, 0.5 * diff * diff / beta, abs_d - 0.5 * beta)
    sl1 = jnp.where(pos_mask[:, None], sl1, 0.0)
    loss_ellipse_reg = jnp.sum(sl1) / N
    return (loss_classifier, loss_ellipse_reg)

if __name__ == "__main__":
    import jax
    _d = setup_inputs()
    print(jax.jit(kernel)(*tuple(_d.values())))

</pallas_src>

<mosaic_0001>
#map = affine_map<(d0, d1) -> (0, 0)>
#map1 = affine_map<(d0, d1) -> (0)>
module attributes {stable_mosaic.version = 14 : i64} {
  func.func @_tile_body(%arg0: i32, %arg1: i32, %arg2: memref<2x20000xf32, #tpu.memory_space<hbm>>, %arg3: memref<12x20000xf32, #tpu.memory_space<hbm>>, %arg4: memref<6x20000xf32, #tpu.memory_space<hbm>>, %arg5: memref<20000xi32, #tpu.memory_space<hbm>>, %arg6: memref<1024xf32, #tpu.memory_space<hbm>>, %arg7: memref<2x640xf32, #tpu.memory_space<vmem>>, %arg8: memref<12x640xf32, #tpu.memory_space<vmem>>, %arg9: memref<6x640xf32, #tpu.memory_space<vmem>>, %arg10: memref<640xi32, #tpu.memory_space<vmem>>, %arg11: memref<16xf32, #tpu.memory_space<vmem>>, %arg12: memref<!tpu.dma_semaphore, #tpu.memory_space<semaphore_mem>>) attributes {dimension_semantics = [#tpu.dimension_semantics<core_parallel>, #tpu.dimension_semantics<subcore_parallel>], iteration_bounds = array<i64: 2, 16>, scalar_prefetch = 0 : i64, scratch_operands = 6 : i64, tpu.core_type = #tpu.core_type<sc_vector_subcore>, window_params = [{transform_indices = #map}, {transform_indices = #map}, {transform_indices = #map}, {transform_indices = #map1}, {transform_indices = #map1}]} {
    %mul3A = arith.constant 2 : i32
    %mul3A_0 = arith.muli %arg1, %mul3A : i32
    %add3A = arith.addi %mul3A_0, %arg0 : i32
    %mul3A_1 = arith.constant 640 : i32
    %mul3A_2 = arith.muli %add3A, %mul3A_1 : i32
    %min3A = arith.constant 19360 : i32
    %min3A_3 = arith.minsi %mul3A_2, %min3A : i32
    %sub3A = arith.subi %mul3A_2, %min3A_3 : i32
    %min3A_4 = arith.constant 19456 : i32
    %min3A_5 = arith.minsi %mul3A_2, %min3A_4 : i32
    %sub3A_6 = arith.subi %mul3A_2, %min3A_5 : i32
    %dma_start3A = arith.constant 0 : i32
    %dma_start3A_7 = tpu.memref_slice %arg2[%dma_start3A, %min3A_5] : memref<2x20000xf32, #tpu.memory_space<hbm>> -> memref<2x640xf32, #tpu.memory_space<hbm>>
    %dma_start3A_8 = arith.constant 0 : i32
    %dma_start3A_9 = tpu.memref_slice %arg2[%dma_start3A_8, %min3A_5] : memref<2x20000xf32, #tpu.memory_space<hbm>> -> memref<2x640xf32, #tpu.memory_space<hbm>>
    tpu.enqueue_dma source(%dma_start3A_9 : memref<2x640xf32, #tpu.memory_space<hbm>>) target(%arg7 : memref<2x640xf32, #tpu.memory_space<vmem>>) target_semaphore(%arg12 : memref<!tpu.dma_semaphore, #tpu.memory_space<semaphore_mem>>)
    %dma_start3A_10 = tpu.memref_slice %arg5[%min3A_3] : memref<20000xi32, #tpu.memory_space<hbm>> -> memref<640xi32, #tpu.memory_space<hbm>>
    %dma_start3A_11 = tpu.memref_slice %arg5[%min3A_3] : memref<20000xi32, #tpu.memory_space<hbm>> -> memref<640xi32, #tpu.memory_space<hbm>>
    tpu.enqueue_dma source(%dma_start3A_11 : memref<640xi32, #tpu.memory_space<hbm>>) target(%arg10 : memref<640xi32, #tpu.memory_space<vmem>>) target_semaphore(%arg12 : memref<!tpu.dma_semaphore, #tpu.memory_space<semaphore_mem>>)
    %dma_start3A_12 = arith.constant 0 : i32
    %dma_start3A_13 = tpu.memref_slice %arg3[%dma_start3A_12, %min3A_5] : memref<12x20000xf32, #tpu.memory_space<hbm>> -> memref<12x640xf32, #tpu.memory_space<hbm>>
    %dma_start3A_14 = arith.constant 0 : i32
    %dma_start3A_15 = tpu.memref_slice %arg3[%dma_start3A_14, %min3A_5] : memref<12x20000xf32, #tpu.memory_space<hbm>> -> memref<12x640xf32, #tpu.memory_space<hbm>>
    tpu.enqueue_dma source(%dma_start3A_15 : memref<12x640xf32, #tpu.memory_space<hbm>>) target(%arg8 : memref<12x640xf32, #tpu.memory_space<vmem>>) target_semaphore(%arg12 : memref<!tpu.dma_semaphore, #tpu.memory_space<semaphore_mem>>)
    %dma_start3A_16 = arith.constant 0 : i32
    %dma_start3A_17 = tpu.memref_slice %arg4[%dma_start3A_16, %min3A_5] : memref<6x20000xf32, #tpu.memory_space<hbm>> -> memref<6x640xf32, #tpu.memory_space<hbm>>
    %dma_start3A_18 = arith.constant 0 : i32
    %dma_start3A_19 = tpu.memref_slice %arg4[%dma_start3A_18, %min3A_5] : memref<6x20000xf32, #tpu.memory_space<hbm>> -> memref<6x640xf32, #tpu.memory_space<hbm>>
    tpu.enqueue_dma source(%dma_start3A_19 : memref<6x640xf32, #tpu.memory_space<hbm>>) target(%arg9 : memref<6x640xf32, #tpu.memory_space<vmem>>) target_semaphore(%arg12 : memref<!tpu.dma_semaphore, #tpu.memory_space<semaphore_mem>>)
    %dma_wait3A = arith.constant 0 : i32
    %dma_wait3A_20 = tpu.memref_slice %arg2[%dma_wait3A, %min3A_5] : memref<2x20000xf32, #tpu.memory_space<hbm>> -> memref<2x640xf32, #tpu.memory_space<hbm>>
    %dma_wait3A_21 = arith.constant 0 : i32
    %dma_wait3A_22 = tpu.memref_slice %arg2[%dma_wait3A_21, %min3A_5] : memref<2x20000xf32, #tpu.memory_space<hbm>> -> memref<2x640xf32, #tpu.memory_space<hbm>>
    tpu.wait_dma2 semaphore(%arg12 : memref<!tpu.dma_semaphore, #tpu.memory_space<semaphore_mem>>) src(%dma_wait3A_22 : memref<2x640xf32, #tpu.memory_space<hbm>>) dst(%arg7 : memref<2x640xf32, #tpu.memory_space<vmem>>)
    %dma_wait3A_23 = tpu.memref_slice %arg5[%min3A_3] : memref<20000xi32, #tpu.memory_space<hbm>> -> memref<640xi32, #tpu.memory_space<hbm>>
    %dma_wait3A_24 = tpu.memref_slice %arg5[%min3A_3] : memref<20000xi32, #tpu.memory_space<hbm>> -> memref<640xi32, #tpu.memory_space<hbm>>
    tpu.wait_dma2 semaphore(%arg12 : memref<!tpu.dma_semaphore, #tpu.memory_space<semaphore_mem>>) src(%dma_wait3A_24 : memref<640xi32, #tpu.memory_space<hbm>>) dst(%arg10 : memref<640xi32, #tpu.memory_space<vmem>>)
    %dma_wait3A_25 = arith.constant 0 : i32
    %dma_wait3A_26 = tpu.memref_slice %arg3[%dma_wait3A_25, %min3A_5] : memref<12x20000xf32, #tpu.memory_space<hbm>> -> memref<12x640xf32, #tpu.memory_space<hbm>>
    %dma_wait3A_27 = arith.constant 0 : i32
    %dma_wait3A_28 = tpu.memref_slice %arg3[%dma_wait3A_27, %min3A_5] : memref<12x20000xf32, #tpu.memory_space<hbm>> -> memref<12x640xf32, #tpu.memory_space<hbm>>
    tpu.wait_dma2 semaphore(%arg12 : memref<!tpu.dma_semaphore, #tpu.memory_space<semaphore_mem>>) src(%dma_wait3A_28 : memref<12x640xf32, #tpu.memory_space<hbm>>) dst(%arg8 : memref<12x640xf32, #tpu.memory_space<vmem>>)
    %dma_wait3A_29 = arith.constant 0 : i32
    %dma_wait3A_30 = tpu.memref_slice %arg4[%dma_wait3A_29, %min3A_5] : memref<6x20000xf32, #tpu.memory_space<hbm>> -> memref<6x640xf32, #tpu.memory_space<hbm>>
    %dma_wait3A_31 = arith.constant 0 : i32
    %dma_wait3A_32 = tpu.memref_slice %arg4[%dma_wait3A_31, %min3A_5] : memref<6x20000xf32, #tpu.memory_space<hbm>> -> memref<6x640xf32, #tpu.memory_space<hbm>>
    tpu.wait_dma2 semaphore(%arg12 : memref<!tpu.dma_semaphore, #tpu.memory_space<semaphore_mem>>) src(%dma_wait3A_32 : memref<6x640xf32, #tpu.memory_space<hbm>>) dst(%arg9 : memref<6x640xf32, #tpu.memory_space<vmem>>)
    %broadcast_in_dim3A = arith.constant 0.000000e+00 : f32
    %broadcast_in_dim3A_33 = vector.broadcast %broadcast_in_dim3A : f32 to vector<16xf32>
    %broadcast_in_dim3A_34 = arith.constant 0.000000e+00 : f32
    %broadcast_in_dim3A_35 = vector.broadcast %broadcast_in_dim3A_34 : f32 to vector<16xf32>
    %scan3A = arith.constant 0 : i32
    %scan3A_36 = arith.constant 40 : i32
    %scan3A_37 = arith.addi %scan3A, %scan3A_36 : i32
    %scan3A_38 = arith.constant 1 : i32
    %scan3A_39:2 = scf.for %scan3A_56 = %scan3A to %scan3A_37 step %scan3A_38 iter_args(%scan3A_57 = %broadcast_in_dim3A_33, %scan3A_58 = %broadcast_in_dim3A_35) -> (vector<16xf32>, vector<16xf32>)  : i32 {
      %mul3A_59 = arith.constant 16 : i32
      %mul3A_60 = arith.muli %scan3A_56, %mul3A_59 : i32
      %add3A_61 = arith.addi %mul3A_2, %mul3A_60 : i32
      %lt3A = arith.constant 20000 : i32
      %lt3A_62 = arith.cmpi slt, %add3A_61, %lt3A : i32
      %mul3A_63 = arith.constant 16 : i32
      %mul3A_64 = arith.muli %scan3A_56, %mul3A_63 : i32
      %add3A_65 = arith.addi %sub3A, %mul3A_64 : i32
      %min3A_66 = arith.constant 624 : i32
      %min3A_67 = arith.minsi %add3A_65, %min3A_66 : i32
      %mul3A_68 = arith.constant 16 : i32
      %mul3A_69 = arith.muli %scan3A_56, %mul3A_68 : i32
      %add3A_70 = arith.addi %sub3A_6, %mul3A_69 : i32
      %min3A_71 = arith.constant 624 : i32
      %min3A_72 = arith.minsi %add3A_70, %min3A_71 : i32
      %get3A = arith.index_cast %min3A_67 : i32 to index
      %get3A_73 = tpu.vector_load %arg10[%get3A] {strides = array<i32>} : memref<640xi32, #tpu.memory_space<vmem>>, vector<16xi32>,
      %convert_element_type3A = arith.sitofp %get3A_73 : vector<16xi32> to vector<16xf32>
      %get3A_74 = arith.constant 0 : i32
      %get3A_75 = arith.index_cast %get3A_74 : i32 to index
      %get3A_76 = arith.index_cast %min3A_72 : i32 to index
      %get3A_77 = tpu.vector_load %arg7[%get3A_75, %get3A_76] {strides = array<i32>} : memref<2x640xf32, #tpu.memory_space<vmem>>, vector<16xf32>,
      %get3A_78 = arith.constant 1 : i32
      %get3A_79 = arith.index_cast %get3A_78 : i32 to index
      %get3A_80 = arith.index_cast %min3A_72 : i32 to index
      %get3A_81 = tpu.vector_load %arg7[%get3A_79, %get3A_80] {strides = array<i32>} : memref<2x640xf32, #tpu.memory_space<vmem>>, vector<16xf32>,
      %sub3A_82 = arith.subf %get3A_81, %get3A_77 : vector<16xf32>
      %mul3A_83 = arith.constant 2.000000e+00 : f32
      %mul3A_84 = vector.broadcast %mul3A_83 : f32 to vector<16xf32>
      %mul3A_85 = arith.mulf %mul3A_84, %convert_element_type3A : vector<16xf32>
      %sub3A_86 = arith.constant 1.000000e+00 : f32
      %sub3A_87 = vector.broadcast %sub3A_86 : f32 to vector<16xf32>
      %sub3A_88 = arith.subf %sub3A_87, %mul3A_85 : vector<16xf32>
      %mul3A_89 = arith.mulf %sub3A_82, %sub3A_88 : vector<16xf32>
      %abs3A = math.absf %mul3A_89 : vector<16xf32>
      %neg3A = arith.constant 0.000000e+00 : f32
      %neg3A_90 = vector.broadcast %neg3A : f32 to vector<16xf32>
      %neg3A_91 = arith.subf %neg3A_90, %abs3A : vector<16xf32>
      %exp3A = math.exp %neg3A_91 : vector<16xf32>
      %mul3A_92 = arith.constant -0.0170296114 : f32
      %mul3A_93 = vector.broadcast %mul3A_92 : f32 to vector<16xf32>
      %mul3A_94 = arith.mulf %mul3A_93, %exp3A : vector<16xf32>
      %add3A_95 = arith.constant 0.08152318 : f32
      %add3A_96 = vector.broadcast %add3A_95 : f32 to vector<16xf32>
      %add3A_97 = arith.addf %mul3A_94, %add3A_96 : vector<16xf32>
      %mul3A_98 = arith.mulf %add3A_97, %exp3A : vector<16xf32>
      %add3A_99 = arith.constant -0.189019546 : f32
      %add3A_100 = vector.broadcast %add3A_99 : f32 to vector<16xf32>
      %add3A_101 = arith.addf %mul3A_98, %add3A_100 : vector<16xf32>
      %mul3A_102 = arith.mulf %add3A_101, %exp3A : vector<16xf32>
      %add3A_103 = arith.constant 0.315041274 : f32
      %add3A_104 = vector.broadcast %add3A_103 : f32 to vector<16xf32>
      %add3A_105 = arith.addf %mul3A_102, %add3A_104 : vector<16xf32>
      %mul3A_106 = arith.mulf %add3A_105, %exp3A : vector<16xf32>
      %add3A_107 = arith.constant -0.49720332 : f32
      %add3A_108 = vector.broadcast %add3A_107 : f32 to vector<16xf32>
      %add3A_109 = arith.addf %mul3A_106, %add3A_108 : vector<16xf32>
      %mul3A_110 = arith.mulf %add3A_109, %exp3A : vector<16xf32>
      %add3A_111 = arith.constant 0.99983257 : f32
      %add3A_112 = vector.broadcast %add3A_111 : f32 to vector<16xf32>
      %add3A_113 = arith.addf %mul3A_110, %add3A_112 : vector<16xf32>
      %mul3A_114 = arith.mulf %add3A_113, %exp3A : vector<16xf32>
      %add3A_115 = arith.constant 1.69366263E-6 : f32
      %add3A_116 = vector.broadcast %add3A_115 : f32 to vector<16xf32>
      %add3A_117 = arith.addf %mul3A_114, %add3A_116 : vector<16xf32>
      %max3A = arith.constant 0.000000e+00 : f32
      %max3A_118 = vector.broadcast %max3A : f32 to vector<16xf32>
      %max3A_119 = arith.maximumf %mul3A_89, %max3A_118 : vector<16xf32>
      %add3A_120 = arith.addf %max3A_119, %add3A_117 : vector<16xf32>
      %broadcast_in_dim3A_121 = arith.constant 0.000000e+00 : f32
      %broadcast_in_dim3A_122 = vector.broadcast %broadcast_in_dim3A_121 : f32 to vector<16xf32>
      %get3A_123 = arith.constant 6 : i32
      %get3A_124 = arith.index_cast %get3A_123 : i32 to index
      %get3A_125 = arith.index_cast %min3A_72 : i32 to index
      %get3A_126 = tpu.vector_load %arg8[%get3A_124, %get3A_125] {strides = array<i32>} : memref<12x640xf32, #tpu.memory_space<vmem>>, vector<16xf32>,
      %get3A_127 = arith.constant 0 : i32
      %get3A_128 = arith.index_cast %get3A_127 : i32 to index
      %get3A_129 = arith.index_cast %min3A_72 : i32 to index
      %get3A_130 = tpu.vector_load %arg9[%get3A_128, %get3A_129] {strides = array<i32>} : memref<6x640xf32, #tpu.memory_space<vmem>>, vector<16xf32>,
      %sub3A_131 = arith.subf %get3A_126, %get3A_130 : vector<16xf32>
      %abs3A_132 = math.absf %sub3A_131 : vector<16xf32>
      %lt3A_133 = arith.constant 0.111111112 : f32
      %lt3A_134 = vector.broadcast %lt3A_133 : f32 to vector<16xf32>
      %lt3A_135 = arith.cmpf olt, %abs3A_132, %lt3A_134 : vector<16xf32>
      %mul3A_136 = arith.constant 4.500000e+00 : f32
      %mul3A_137 = vector.broadcast %mul3A_136 : f32 to vector<16xf32>
      %mul3A_138 = arith.mulf %mul3A_137, %sub3A_131 : vector<16xf32>
      %mul3A_139 = arith.mulf %mul3A_138, %sub3A_131 : vector<16xf32>
      %sub3A_140 = arith.constant 0.055555556 : f32
      %sub3A_141 = vector.broadcast %sub3A_140 : f32 to vector<16xf32>
      %sub3A_142 = arith.subf %abs3A_132, %sub3A_141 : vector<16xf32>
      %select_n3A = arith.select %lt3A_135, %mul3A_139, %sub3A_142 : vector<16xi1>, vector<16xf32>
      %add3A_143 = arith.addf %broadcast_in_dim3A_122, %select_n3A : vector<16xf32>
      %get3A_144 = arith.constant 7 : i32
      %get3A_145 = arith.index_cast %get3A_144 : i32 to index
      %get3A_146 = arith.index_cast %min3A_72 : i32 to index
      %get3A_147 = tpu.vector_load %arg8[%get3A_145, %get3A_146] {strides = array<i32>} : memref<12x640xf32, #tpu.memory_space<vmem>>, vector<16xf32>,
      %get3A_148 = arith.constant 1 : i32
      %get3A_149 = arith.index_cast %get3A_148 : i32 to index
      %get3A_150 = arith.index_cast %min3A_72 : i32 to index
      %get3A_151 = tpu.vector_load %arg9[%get3A_149, %get3A_150] {strides = array<i32>} : memref<6x640xf32, #tpu.memory_space<vmem>>, vector<16xf32>,
      %sub3A_152 = arith.subf %get3A_147, %get3A_151 : vector<16xf32>
      %abs3A_153 = math.absf %sub3A_152 : vector<16xf32>
      %lt3A_154 = arith.constant 0.111111112 : f32
      %lt3A_155 = vector.broadcast %lt3A_154 : f32 to vector<16xf32>
      %lt3A_156 = arith.cmpf olt, %abs3A_153, %lt3A_155 : vector<16xf32>
      %mul3A_157 = arith.constant 4.500000e+00 : f32
      %mul3A_158 = vector.broadcast %mul3A_157 : f32 to vector<16xf32>
      %mul3A_159 = arith.mulf %mul3A_158, %sub3A_152 : vector<16xf32>
      %mul3A_160 = arith.mulf %mul3A_159, %sub3A_152 : vector<16xf32>
      %sub3A_161 = arith.constant 0.055555556 : f32
      %sub3A_162 = vector.broadcast %sub3A_161 : f32 to vector<16xf32>
      %sub3A_163 = arith.subf %abs3A_153, %sub3A_162 : vector<16xf32>
      %select_n3A_164 = arith.select %lt3A_156, %mul3A_160, %sub3A_163 : vector<16xi1>, vector<16xf32>
      %add3A_165 = arith.addf %add3A_143, %select_n3A_164 : vector<16xf32>
      %get3A_166 = arith.constant 8 : i32
      %get3A_167 = arith.index_cast %get3A_166 : i32 to index
      %get3A_168 = arith.index_cast %min3A_72 : i32 to index
      %get3A_169 = tpu.vector_load %arg8[%get3A_167, %get3A_168] {strides = array<i32>} : memref<12x640xf32, #tpu.memory_space<vmem>>, vector<16xf32>,
      %get3A_170 = arith.constant 2 : i32
      %get3A_171 = arith.index_cast %get3A_170 : i32 to index
      %get3A_172 = arith.index_cast %min3A_72 : i32 to index
      %get3A_173 = tpu.vector_load %arg9[%get3A_171, %get3A_172] {strides = array<i32>} : memref<6x640xf32, #tpu.memory_space<vmem>>, vector<16xf32>,
      %sub3A_174 = arith.subf %get3A_169, %get3A_173 : vector<16xf32>
      %abs3A_175 = math.absf %sub3A_174 : vector<16xf32>
      %lt3A_176 = arith.constant 0.111111112 : f32
      %lt3A_177 = vector.broadcast %lt3A_176 : f32 to vector<16xf32>
      %lt3A_178 = arith.cmpf olt, %abs3A_175, %lt3A_177 : vector<16xf32>
      %mul3A_179 = arith.constant 4.500000e+00 : f32
      %mul3A_180 = vector.broadcast %mul3A_179 : f32 to vector<16xf32>
      %mul3A_181 = arith.mulf %mul3A_180, %sub3A_174 : vector<16xf32>
      %mul3A_182 = arith.mulf %mul3A_181, %sub3A_174 : vector<16xf32>
      %sub3A_183 = arith.constant 0.055555556 : f32
      %sub3A_184 = vector.broadcast %sub3A_183 : f32 to vector<16xf32>
      %sub3A_185 = arith.subf %abs3A_175, %sub3A_184 : vector<16xf32>
      %select_n3A_186 = arith.select %lt3A_178, %mul3A_182, %sub3A_185 : vector<16xi1>, vector<16xf32>
      %add3A_187 = arith.addf %add3A_165, %select_n3A_186 : vector<16xf32>
      %get3A_188 = arith.constant 9 : i32
      %get3A_189 = arith.index_cast %get3A_188 : i32 to index
      %get3A_190 = arith.index_cast %min3A_72 : i32 to index
      %get3A_191 = tpu.vector_load %arg8[%get3A_189, %get3A_190] {strides = array<i32>} : memref<12x640xf32, #tpu.memory_space<vmem>>, vector<16xf32>,
      %get3A_192 = arith.constant 3 : i32
      %get3A_193 = arith.index_cast %get3A_192 : i32 to index
      %get3A_194 = arith.index_cast %min3A_72 : i32 to index
      %get3A_195 = tpu.vector_load %arg9[%get3A_193, %get3A_194] {strides = array<i32>} : memref<6x640xf32, #tpu.memory_space<vmem>>, vector<16xf32>,
      %sub3A_196 = arith.subf %get3A_191, %get3A_195 : vector<16xf32>
      %abs3A_197 = math.absf %sub3A_196 : vector<16xf32>
      %lt3A_198 = arith.constant 0.111111112 : f32
      %lt3A_199 = vector.broadcast %lt3A_198 : f32 to vector<16xf32>
      %lt3A_200 = arith.cmpf olt, %abs3A_197, %lt3A_199 : vector<16xf32>
      %mul3A_201 = arith.constant 4.500000e+00 : f32
      %mul3A_202 = vector.broadcast %mul3A_201 : f32 to vector<16xf32>
      %mul3A_203 = arith.mulf %mul3A_202, %sub3A_196 : vector<16xf32>
      %mul3A_204 = arith.mulf %mul3A_203, %sub3A_196 : vector<16xf32>
      %sub3A_205 = arith.constant 0.055555556 : f32
      %sub3A_206 = vector.broadcast %sub3A_205 : f32 to vector<16xf32>
      %sub3A_207 = arith.subf %abs3A_197, %sub3A_206 : vector<16xf32>
      %select_n3A_208 = arith.select %lt3A_200, %mul3A_204, %sub3A_207 : vector<16xi1>, vector<16xf32>
      %add3A_209 = arith.addf %add3A_187, %select_n3A_208 : vector<16xf32>
      %get3A_210 = arith.constant 10 : i32
      %get3A_211 = arith.index_cast %get3A_210 : i32 to index
      %get3A_212 = arith.index_cast %min3A_72 : i32 to index
      %get3A_213 = tpu.vector_load %arg8[%get3A_211, %get3A_212] {strides = array<i32>} : memref<12x640xf32, #tpu.memory_space<vmem>>, vector<16xf32>,
      %get3A_214 = arith.constant 4 : i32
      %get3A_215 = arith.index_cast %get3A_214 : i32 to index
      %get3A_216 = arith.index_cast %min3A_72 : i32 to index
      %get3A_217 = tpu.vector_load %arg9[%get3A_215, %get3A_216] {strides = array<i32>} : memref<6x640xf32, #tpu.memory_space<vmem>>, vector<16xf32>,
      %sub3A_218 = arith.subf %get3A_213, %get3A_217 : vector<16xf32>
      %abs3A_219 = math.absf %sub3A_218 : vector<16xf32>
      %lt3A_220 = arith.constant 0.111111112 : f32
      %lt3A_221 = vector.broadcast %lt3A_220 : f32 to vector<16xf32>
      %lt3A_222 = arith.cmpf olt, %abs3A_219, %lt3A_221 : vector<16xf32>
      %mul3A_223 = arith.constant 4.500000e+00 : f32
      %mul3A_224 = vector.broadcast %mul3A_223 : f32 to vector<16xf32>
      %mul3A_225 = arith.mulf %mul3A_224, %sub3A_218 : vector<16xf32>
      %mul3A_226 = arith.mulf %mul3A_225, %sub3A_218 : vector<16xf32>
      %sub3A_227 = arith.constant 0.055555556 : f32
      %sub3A_228 = vector.broadcast %sub3A_227 : f32 to vector<16xf32>
      %sub3A_229 = arith.subf %abs3A_219, %sub3A_228 : vector<16xf32>
      %select_n3A_230 = arith.select %lt3A_222, %mul3A_226, %sub3A_229 : vector<16xi1>, vector<16xf32>
      %add3A_231 = arith.addf %add3A_209, %select_n3A_230 : vector<16xf32>
      %get3A_232 = arith.constant 11 : i32
      %get3A_233 = arith.index_cast %get3A_232 : i32 to index
      %get3A_234 = arith.index_cast %min3A_72 : i32 to index
      %get3A_235 = tpu.vector_load %arg8[%get3A_233, %get3A_234] {strides = array<i32>} : memref<12x640xf32, #tpu.memory_space<vmem>>, vector<16xf32>,
      %get3A_236 = arith.constant 5 : i32
      %get3A_237 = arith.index_cast %get3A_236 : i32 to index
      %get3A_238 = arith.index_cast %min3A_72 : i32 to index
      %get3A_239 = tpu.vector_load %arg9[%get3A_237, %get3A_238] {strides = array<i32>} : memref<6x640xf32, #tpu.memory_space<vmem>>, vector<16xf32>,
      %sub3A_240 = arith.subf %get3A_235, %get3A_239 : vector<16xf32>
      %abs3A_241 = math.absf %sub3A_240 : vector<16xf32>
      %lt3A_242 = arith.constant 0.111111112 : f32
      %lt3A_243 = vector.broadcast %lt3A_242 : f32 to vector<16xf32>
      %lt3A_244 = arith.cmpf olt, %abs3A_241, %lt3A_243 : vector<16xf32>
      %mul3A_245 = arith.constant 4.500000e+00 : f32
      %mul3A_246 = vector.broadcast %mul3A_245 : f32 to vector<16xf32>
      %mul3A_247 = arith.mulf %mul3A_246, %sub3A_240 : vector<16xf32>
      %mul3A_248 = arith.mulf %mul3A_247, %sub3A_240 : vector<16xf32>
      %sub3A_249 = arith.constant 0.055555556 : f32
      %sub3A_250 = vector.broadcast %sub3A_249 : f32 to vector<16xf32>
      %sub3A_251 = arith.subf %abs3A_241, %sub3A_250 : vector<16xf32>
      %select_n3A_252 = arith.select %lt3A_244, %mul3A_248, %sub3A_251 : vector<16xi1>, vector<16xf32>
      %add3A_253 = arith.addf %add3A_231, %select_n3A_252 : vector<16xf32>
      %jit3A = arith.constant 0.000000e+00 : f32
      %broadcast_in_dim3A_254 = vector.broadcast %jit3A : f32 to vector<16xf32>
      %select_n3A_255 = arith.select %lt3A_62, %add3A_120, %broadcast_in_dim3A_254 : vector<16xf32>
      %add3A_256 = arith.addf %scan3A_57, %select_n3A_255 : vector<16xf32>
      %mul3A_257 = arith.mulf %add3A_253, %convert_element_type3A : vector<16xf32>
      %jit3A_258 = arith.constant 0.000000e+00 : f32
      %broadcast_in_dim3A_259 = vector.broadcast %jit3A_258 : f32 to vector<16xf32>
      %select_n3A_260 = arith.select %lt3A_62, %mul3A_257, %broadcast_in_dim3A_259 : vector<16xf32>
      %add3A_261 = arith.addf %scan3A_58, %select_n3A_260 : vector<16xf32>
      scf.yield %add3A_256, %add3A_261 : vector<16xf32>, vector<16xf32>
    }
    %scan3A_40 = arith.constant 40 : i32
    %mul3A_41 = arith.constant 5.000000e-05 : f32
    %mul3A_42 = vector.broadcast %mul3A_41 : f32 to vector<16xf32>
    %mul3A_43 = arith.mulf %scan3A_39#0, %mul3A_42 : vector<16xf32>
    %swap3A = arith.constant 0 : index
    %swap3A_44 = tpu.vector_load %arg11[%swap3A] {strides = array<i32>} : memref<16xf32, #tpu.memory_space<vmem>>, vector<16xf32>,
    tpu.vector_store %arg11[%swap3A], %mul3A_43 {strides = array<i32>} : memref<16xf32, #tpu.memory_space<vmem>>, vector<16xf32>,
    %mul3A_45 = arith.constant 16 : i32
    %mul3A_46 = arith.muli %add3A, %mul3A_45 : i32
    "tpu.region"() ({
      %run_scoped3A = tpu.sem_alloc : memref<!tpu.dma_semaphore, #tpu.memory_space<semaphore_mem>>
      %dma_start3A_56 = tpu.memref_slice %arg6[%mul3A_46] : memref<1024xf32, #tpu.memory_space<hbm>> -> memref<16xf32, #tpu.memory_space<hbm>>
      %dma_start3A_57 = tpu.memref_slice %arg6[%mul3A_46] : memref<1024xf32, #tpu.memory_space<hbm>> -> memref<16xf32, #tpu.memory_space<hbm>>
      tpu.enqueue_dma source(%arg11 : memref<16xf32, #tpu.memory_space<vmem>>) target(%dma_start3A_57 : memref<16xf32, #tpu.memory_space<hbm>>) target_semaphore(%run_scoped3A : memref<!tpu.dma_semaphore, #tpu.memory_space<semaphore_mem>>)
      %dma_wait3A_58 = tpu.memref_slice %arg6[%mul3A_46] : memref<1024xf32, #tpu.memory_space<hbm>> -> memref<16xf32, #tpu.memory_space<hbm>>
      %dma_wait3A_59 = tpu.memref_slice %arg6[%mul3A_46] : memref<1024xf32, #tpu.memory_space<hbm>> -> memref<16xf32, #tpu.memory_space<hbm>>
      tpu.wait_dma2 semaphore(%run_scoped3A : memref<!tpu.dma_semaphore, #tpu.memory_space<semaphore_mem>>) src(%arg11 : memref<16xf32, #tpu.memory_space<vmem>>) dst(%dma_wait3A_59 : memref<16xf32, #tpu.memory_space<hbm>>)
      tpu.yield
    }) : () -> ()
    %mul3A_47 = arith.constant 5.000000e-05 : f32
    %mul3A_48 = vector.broadcast %mul3A_47 : f32 to vector<16xf32>
    %mul3A_49 = arith.mulf %scan3A_39#1, %mul3A_48 : vector<16xf32>
    %swap3A_50 = arith.constant 0 : index
    %swap3A_51 = tpu.vector_load %arg11[%swap3A_50] {strides = array<i32>} : memref<16xf32, #tpu.memory_space<vmem>>, vector<16xf32>,
    tpu.vector_store %arg11[%swap3A_50], %mul3A_49 {strides = array<i32>} : memref<16xf32, #tpu.memory_space<vmem>>, vector<16xf32>,
    %mul3A_52 = arith.constant 16 : i32
    %mul3A_53 = arith.muli %add3A, %mul3A_52 : i32
    %add3A_54 = arith.constant 512 : i32
    %add3A_55 = arith.addi %add3A_54, %mul3A_53 : i32
    "tpu.region"() ({
      %run_scoped3A = tpu.sem_alloc : memref<!tpu.dma_semaphore, #tpu.memory_space<semaphore_mem>>
      %dma_start3A_56 = tpu.memref_slice %arg6[%add3A_55] : memref<1024xf32, #tpu.memory_space<hbm>> -> memref<16xf32, #tpu.memory_space<hbm>>
      %dma_start3A_57 = tpu.memref_slice %arg6[%add3A_55] : memref<1024xf32, #tpu.memory_space<hbm>> -> memref<16xf32, #tpu.memory_space<hbm>>
      tpu.enqueue_dma source(%arg11 : memref<16xf32, #tpu.memory_space<vmem>>) target(%dma_start3A_57 : memref<16xf32, #tpu.memory_space<hbm>>) target_semaphore(%run_scoped3A : memref<!tpu.dma_semaphore, #tpu.memory_space<semaphore_mem>>)
      %dma_wait3A_58 = tpu.memref_slice %arg6[%add3A_55] : memref<1024xf32, #tpu.memory_space<hbm>> -> memref<16xf32, #tpu.memory_space<hbm>>
      %dma_wait3A_59 = tpu.memref_slice %arg6[%add3A_55] : memref<1024xf32, #tpu.memory_space<hbm>> -> memref<16xf32, #tpu.memory_space<hbm>>
      tpu.wait_dma2 semaphore(%run_scoped3A : memref<!tpu.dma_semaphore, #tpu.memory_space<semaphore_mem>>) src(%arg11 : memref<16xf32, #tpu.memory_space<vmem>>) dst(%dma_wait3A_59 : memref<16xf32, #tpu.memory_space<hbm>>)
      tpu.yield
    }) : () -> ()
    return
  }
}

</mosaic_0001>

<sc_bundles>
// kernel: kernel.3.cloned.1.call-start
scs
__scs_entry_jumppad:
0x0: {  	(pc) =	sbr.rel $0x88, $3  }
0x1: {  	(tag) =	ssettag $0x0;
	lr =	simm.s32 $0x1  }
0x2: {  	[smem:$0x3F9D] =	sst lr;
	_ =	strace $0xD0000000  }
0x3: {  	_ = 	snop  }
0x4: {  	_ = 	snop  }
0x5: {  	_ = 	snop  }
0x6: {  	_ = 	snop  }
0x7: {  	_ = 	snop  }
__scs_overlays_trampoline_lowered:
0x8: {  	[smem:$0x3FAC] =	sst s0  }
0x9: {  	[smem:$0x3FAD] =	sst s1  }
0xa: {  	[smem:$0x3FAE] =	sst s2  }
0xb: {  	[smem:$0x3FAF] =	sst s3  }
0xc: {  	[smem:$0x3FB0] =	sst s4  }
0xd: {  	[smem:$0x3FB1] =	sst s5  }
0xe: {  	[smem:$0x3FB2] =	sst s6  }
0xf: {  	[smem:$0x3FB3] =	sst s7  }
0x10: {  	[smem:$0x3FB4] =	sst s8  }
0x11: {  	[smem:$0x3FB5] =	sst s9;
	s0 =	simm.s32 @!p0 $0x0  }
0x12: {  	s1 =	sld [smem:$0x3F9B];
	s0 =	simm.s32 @p0 $0x1  }
0x13: {  	[smem:$0x3FB6] =	sst s0;
	s0 =	simm.s32 @!p1 $0x0  }
0x14: {  	s2 =	sld [smem:$0x3F9A];
	s0 =	simm.s32 @p1 $0x1  }
0x15: {  	[smem:$0x3FB7] =	sst s0;
	s0 =	simm.s32 @!p2 $0x0  }
0x16: {  	s3 =	sld [smem:$0x3FDB];
	s0 =	simm.s32 @p2 $0x1  }
0x17: {  	s4 =	simm.s32 $0x1BF5;
	[smem:$0x3FB9] =	sst s0  }
0x18: {  	s0 =	sld [smem:$0x3F9C];
	_ =	swait.ge [sflag:s4], $0x0  }
0x19: {  	s7 =	sld [smem:$0x3F9D]  }
0x1a: {  	s8 =	sadd.s32 $0xFFFFE003, lr  }
0x1b: {  	s9 =	sadd.s32 $0xFFFFFEF7, lr;
	s5 =	simm.s32 $0xFFFFFFFF;
	p2 =	slt.u32 s8, $0xFFFFF086  }
0x1c: {  	p1 =	slt.u32 s9, $0xF7A;
	s5 =	simm.s32 @!p2 $0x0  }
0x1d: {  	s5 =	simm.s32 @p1 $0x1;
	p0 =	seq.s32 s7, s2  }
0x1e: {  	s7 =	smul.u32 @!p0 $0xF7A, s2;
	p2 =	seq.s32 @!p0 s5, $0x0  }
0x1f: {  	s9 =	smul.u32 $0xF7A, s1;
	s8 =	simm.s32 @!p0 $0x1BF5;
	p2 =	por !p2, p0  }
0x20: {  	[sflag:s8] =	ssyncset.s32 @!p0 $0xFFFFF086;
	s6 =	sadd.s32 @!p0 s3, s7;
	s7 =	simm.s32 @!p0 $0x108  }
0x21: {  	s3 =	sadd.s32 s3, s9;
	s6 =	sadd.s32 @!p0 $0x88, s6;
	s7 =	simm.s32 @p2 $0x1082  }
0x22: {  	[simem:s7], [sflag:s8] =	dma.local @!p0 [hbm:s6], $0xF7A  }
0x23: {  	s9 =	sor.u32 $0xD0000000, s2;
	s6 =	simm.s32 $0x108;
	_ =	swait.ge @!p0 [sflag:s8], $0x0  }
0x24: {  	s3 =	sadd.s32 $0x88, s3;
	s6 =	simm.s32 @!p1 $0x1082;
	[sflag:s4] =	ssyncset.s32 $0xFFFFF086  }
0x25: {  	[simem:s6], [sflag:s4] =	dma.local [hbm:s3], $0xF7A  }
0x26: {  	[smem:$0x3F9D] =	sst s1;
	(tag) =	ssettag s2;
	_ =	strace s9  }
0x27: {  	s1 =	sld [smem:$0x3FAD]  }
0x28: {  	s2 =	sld [smem:$0x3FAE]  }
0x29: {  	s4 =	sld [smem:$0x3FB0]  }
0x2a: {  	p0 =	seq.s32 s5, $0x0;
	s5 =	sld [smem:$0x3FB1]  }
0x2b: {  	s6 =	sld [smem:$0x3FB2]  }
0x2c: {  	s7 =	sld [smem:$0x3FB3]  }
0x2d: {  	s3 =	simm.s32 $0x108;
	s8 =	sld [smem:$0x3FB4]  }
0x2e: {  	s3 =	simm.s32 @!p0 $0x1082;
	s9 =	sld [smem:$0x3FB5]  }
0x2f: {  	lr =	sadd.s32 s0, s3;
	s0 =	sld [smem:$0x3FAC]  }
0x30: {  	s3 =	sld [smem:$0x3FAF]  }
0x31: {  	[smem:$0x3FB8] =	sst s10  }
0x32: {  	s10 =	sld [smem:$0x3FB6];
	_ =	sdelay $0x3  }
0x33: {  	p0 =	seq.s32 s10, $0x1;
	s10 =	sld [smem:$0x3FB8];
	_ =	sdelay $0x3  }
0x34: {  	[smem:$0x3FB8] =	sst s10  }
0x35: {  	s10 =	sld [smem:$0x3FB7];
	_ =	sdelay $0x3  }
0x36: {  	p1 =	seq.s32 s10, $0x1;
	s10 =	sld [smem:$0x3FB8];
	_ =	sdelay $0x3  }
0x37: {  	[smem:$0x3FB8] =	sst s10  }
0x38: {  	s10 =	sld [smem:$0x3FB9]  }
0x39: {  	_ = 	snop;
	(pc) =	sbr.ind lr, $3  }
0x3a: {  	_ = 	snop  }
0x3b: {  	_ = 	snop  }
0x3c: {  	p2 =	seq.s32 s10, $0x1;
	s10 =	sld [smem:$0x3FB8]  }
0x3d: {  	_ =	shalt  }
0x3e: {  	_ =	shalt  }
0x3f: {  	_ =	shalt  }
0x40: {  	_ =	shalt  }
0x41: {  	_ =	shalt  }
0x42: {  	_ =	shalt  }
0x43: {  	_ =	shalt  }
0x44: {  	_ =	shalt  }
0x45: {  	_ =	shalt  }
0x46: {  	_ =	shalt  }
0x47: {  	_ =	shalt  }
0x48: {  	_ =	shalt  }
0x49: {  	_ =	shalt  }
0x4a: {  	_ =	shalt  }
0x4b: {  	_ =	shalt  }
0x4c: {  	_ =	shalt  }
0x4d: {  	_ =	shalt  }
0x4e: {  	_ =	shalt  }
0x4f: {  	_ =	shalt  }
0x50: {  	_ =	shalt  }
0x51: {  	_ =	shalt  }
0x52: {  	_ =	shalt  }
0x53: {  	_ =	shalt  }
0x54: {  	_ =	shalt  }
0x55: {  	_ =	shalt  }
0x56: {  	_ =	shalt  }
0x57: {  	_ =	shalt  }
0x58: {  	_ =	shalt  }
0x59: {  	_ =	shalt  }
0x5a: {  	_ =	shalt  }
0x5b: {  	_ =	shalt  }
0x5c: {  	_ =	shalt  }
0x5d: {  	_ =	shalt  }
0x5e: {  	_ =	shalt  }
0x5f: {  	_ =	shalt  }
0x60: {  	_ =	shalt  }
0x61: {  	_ =	shalt  }
0x62: {  	_ =	shalt  }
0x63: {  	_ =	shalt  }
0x64: {  	_ =	shalt  }
0x65: {  	_ =	shalt  }
0x66: {  	_ =	shalt  }
0x67: {  	_ =	shalt  }
0x68: {  	_ =	shalt  }
0x69: {  	_ =	shalt  }
0x6a: {  	_ =	shalt  }
0x6b: {  	_ =	shalt  }
0x6c: {  	_ =	shalt  }
0x6d: {  	_ =	shalt  }
0x6e: {  	_ =	shalt  }
0x6f: {  	_ =	shalt  }
0x70: {  	_ =	shalt  }
0x71: {  	_ =	shalt  }
0x72: {  	_ =	shalt  }
0x73: {  	_ =	shalt  }
0x74: {  	_ =	shalt  }
0x75: {  	_ =	shalt  }
0x76: {  	_ =	shalt  }
0x77: {  	_ =	shalt  }
0x78: {  	_ =	shalt  }
0x79: {  	_ =	shalt  }
0x7a: {  	_ =	shalt  }
0x7b: {  	_ =	shalt  }
0x7c: {  	_ =	shalt  }
0x7d: {  	_ =	shalt  }
0x7e: {  	_ =	shalt  }
0x7f: {  	_ =	shalt  }
0x80: {  	_ =	shalt  }
0x81: {  	_ =	shalt  }
0x82: {  	_ =	shalt  }
0x83: {  	_ =	shalt  }
0x84: {  	_ =	shalt  }
0x85: {  	_ =	shalt  }
0x86: {  	_ =	shalt  }
0x87: {  	_ =	shalt  }
.Lfunc_end0:
.L_simem_size_0:
called_computation_lowered:
.L_overlay_start_0:
0x88: {  	s2 =	sld [smem:$0x3FD9]  }
0x89: {  	s3 =	sld [smem:$0x3FFE];
	_ =	sdelay $0x1  }
0x8a: {  	s1 =	srdreg.scid  }
0x8b: {  	s0 =	sand.u32 $0x1, s1  }
0x8c: {  	s17 =	sshll.u32 s0, $0xA;
	s2 =	sadd.s32 s3, s2  }
0x8d: {  	s2 =	sadd.s32 s2, s17  }
0x8e: {  	[smem:$0x3FC4] =	sst s2  }
0x8f: {  	_ = 	snop  }
0x90: {  	s2 =	sld [smem:$0x3FC9]  }
0x91: {  	s18 =	sld [smem:$0x3FC8]  }
0x92: {  	s4 =	sld [smem:$0x3FC7]  }
0x93: {  	s5 =	sld [smem:$0x3FC6];
	(tm) =	ssettm $0x1  }
0x94: {  	s6 =	sld [smem:$0x3FFB];
	_ =	sdelay $0x3  }
0x95: {  	_ =	strace s6  }
0x96: {  	s6 =	sld [smem:$0x3FFC];
	_ =	sdelay $0x3  }
0x97: {  	_ =	strace s6  }
0x98: {  	s6 =	sld [smem:$0x3FFD];
	_ =	sdelay $0x3  }
0x99: {  	_ =	strace s6  }
0x9a: {  	_ =	strace $0x8FFFFFFF  }
0x9b: {  	s19 =	sld [smem:$0x3FDB];
	_ =	sdelay $0x1  }
0x9c: {  	s7 =	simm.s32 $_scs_section_size  }
0x9d: {  	s8 =	simm.s32 $_size__tile_overlayer_lowered;
	s9 =	simm.s32 $_tile_overlayer_lowered  }
0x9e: {  	s22 =	simm.s32 $0x1BFF;
	s21 =	sshll.u32 s9, $0x1;
	s6 =	sadd.s32 s7, s19  }
0x9f: {  	s10 =	simm.s32 $0x0;
	s20 =	sshll.u32 s8, $0x1;
	s8 =	sadd.s32 s21, s6  }
0xa0: {  	[timem:s10], [sflag:s22] =	dma.local [hbm:s8], s20  }
0xa1: {  	_ =	swait.ge [sflag:s22], s20  }
0xa2: {  	s7 =	ssub.s32 $0x0, s20;
	[sflag:s22] =	ssyncset.done $0x0  }
0xa3: {  	[sflag:s22] =	ssyncadd.s32 s7;
	_ =	sdelay $0x1  }
0xa4: {  	s23 =	simm.s32 $0x1B8B  }
0xa5: {  	_ =	swait.ge [sflag:s23], $0x1  }
0xa6: {  	[sflag:s23] =	ssyncset.done $0x0  }
0xa7: {  	s25 =	simm.s32 $0x1B8E;
	s24 =	sld [smem:$0x3FFE];
	[sflag:s23] =	ssyncadd.s32 $0xFFFFFFFF  }
0xa8: {  	s26 =	simm.s32 $execute0_lowered;
	[smem:$0x3FD2] =	sst s25  }
0xa9: {  	s8 =	sshll.u32 s26, $0x1;
	_ =	strace $0x80000046;
	[dreg:$0x1] =	wrdreg $0xFFFFFFFF  }
0xaa: {  	s28 =	simm.s32 $_size_execute0_lowered;
	s6 =	sadd.s32 s6, s8;
	[dreg:$0x0] =	wrdreg $0x0  }
0xab: {  	s8 =	sshll.u32 s28, $0x1;
	[dreg:$0x2] =	wrdreg s6  }
0xac: {  	[dreg:$0x3] =	wrdreg s8  }
0xad: {  	[dreg:$0x4] =	wrdreg $0xC0  }
0xae: {  	_ =	task [dreg:s10], $0x5FFFF  }
0xaf: {  	[dreg:$0x1] =	wrdreg $0xFFFFFFFF  }
0xb0: {  	[dreg:$0x0] =	wrdreg $0x60  }
0xb1: {  	[dreg:$0x2] =	wrdreg s2  }
0xb2: {  	[dreg:$0x3] =	wrdreg s18  }
0xb3: {  	[dreg:$0x4] =	wrdreg s5  }
0xb4: {  	[dreg:$0x5] =	wrdreg s4  }
0xb5: {  	[dreg:$0x6] =	wrdreg s24  }
0xb6: {  	[dreg:$0x7] =	wrdreg $0x9  }
0xb7: {  	_ =	task.clear_ibuf [dreg:s10], $0x8FFFF;
	_ =	strace $0x90000046  }
0xb8: {  	s29 =	simm.s32 $0x9;
	_ =	strace $0x80000048  }
0xb9: {  	_ =	swait.ge [sflag:s29], $0x1  }
0xba: {  	[sflag:s29] =	ssyncadd.s32 $0xFFFFFFFF  }
0xbb: {  	_ =	strace $0x90000048  }
0xbc: {  	_ =	sfence  }
0xbd: {  	s30 =	sld [smem:$0x0];
	_ =	sdelay $0x2  }
0xbe: {  	s31 =	sshll.u32 s1, $0xD;
	s1 =	sshrl.u32 s1, $0x2  }
0xbf: {  	s3 =	sand.u32 $0x4000, s31;
	s1 =	sadd.s32 s1, s30  }
0xc0: {  	s0 =	sor.u32 s3, s0;
	s1 =	sshll.u32 s1, $0x11  }
0xc1: {  	s0 =	sor.u32 s1, s0  }
0xc2: {  	s0 =	sadd.s32 $0x8F2B, s0  }
0xc3: {  	[sflag:s0] =	ssyncadd.remote.s32 $0x1  }
0xc4: {  	_ =	sfence.sel $0xFFFF  }
0xc5: {  	[dreg:$0x0] =	wrdreg $0xFFFFFFFF;
	(pc) =	sbr.abs _section_cstart, $3  }
0xc6: {  	[dreg:$0x1] =	wrdreg $0xFFFFFFFF  }
0xc7: {  	_ =	task.clear_ibuf [dreg:s10], $0x2FFFF;
	_ =	strace $0x9FFFFFFF  }
0xc8: {  	(tm) =	ssettm $0x7FFFFFFF  }
0xc9: {  	_ =	shalt  }
tec
execute0_lowered:
.L_overlay_start_1:
0x0: {  	(tag) =	ssettag $0x1  }
0x1: {  	s3 =	rddreg [dreg:$0x0]  }
0x2: {  	s5 =	rddreg [dreg:$0x1]  }
0x3: {  	s6 =	rddreg [dreg:$0x2]  }
0x4: {  	s4 =	rddreg [dreg:$0x3];
	s1 =	srdreg.scid  }
0x5: {  	s0 =	stileid.u32;
	s7 =	rddreg [dreg:$0x4]  }
0x6: {  	s15 =	simm.s32 $0x27400;
	s16 =	simm.s32 $0x500;
	s17 =	simm.s32 $0x2D00  }
0x7: {  	s18 =	simm.s32 $0x1;
	s19 =	simm.s32 $0x4380;
	s20 =	simm.s32 $0x2  }
0x8: {  	s21 =	simm.s32 $0x0;
	s8 =	sand.u32 $0x1, s1;
	s2 =	sshll.u32 s0, $0x1  }
0x9: {  	s1 =	rddreg [dreg:$0x5];
	s14 =	smul.u32 $0x500, s0;
	s9 =	sor.u32 s8, s2  }
0xa: {  	s2 =	simm.s32 $0x0;
	s10 =	ssub.s32 $0x2, s8;
	s8 =	smul.u32 $0x280, s8  }
0xb: {  	s11 =	smul.u32 $0x280, s9;
	[smem:$0x7FF] =	sst s2;
	s12 =	sshrl.u32 s10, $0x1  }
0xc: {  	s9 =	sshll.u32 s9, $0x1;
	_ =	strace $0x80000047;
	s10 =	ssub.s32 s10, s12  }
0xd: {  	s7 =	sadd.s32 s7, s9;
	s8 =	sadd.s32 s8, s14;
	s14 =	simm.s32 $0x1400  }
0xe: {  	s29 =	smin.u32 s11, $0x4C00;
	s11 =	smin.u32 s11, $0x4BA0;
	s9 =	sadd.s32 $0x40, s7  }
0xf: {  	s30 =	smax.u32 s8, $0x4BA0;
	s31 =	smax.u32 s8, $0x4C00;
	s10 =	smax.u32 s10, $0x1  }
0x10: {  	s13 =	sshrl.u32 s29, $0x2;
	s11 =	sshrl.u32 s11, $0x3;
	s5 =	sadd.s32 s5, s29  }
0x11: {  	s6 =	sadd.s32 s6, s29;
	s12 =	sadd.s32 $0xFFFFB400, s31;
	s3 =	sadd.s32 s3, s13  }
0x12: {  	s4 =	sadd.s32 s4, s11;
	s11 =	sadd.s32 $0xFFFFB460, s30;
	s13 =	simm.s32 $0x4100  }
.LBB2_1:
0x13: {  	[tilespmem:s2], [sflag:$0x1] =	stream.linear.gather [hbm4b:s3+s2], $0x500, $0x38;
	[tilespmem:$0x4400] =	vst v63  }
0x14: {  	_ = 	snop  }
0x15: {  	[tilespmem:s13], [sflag:$0x1] =	stream.linear.gather [hbm4b:s4+s2], $0x280, $0x38;
	[tilespmem:$0x4400] =	vst v63  }
0x16: {  	_ = 	snop  }
0x17: {  	[tilespmem:s16], [sflag:$0x1] =	stream.strided.gather [hbm4b:s5+s14], $0x2800, s15, s14, $0x38;
	[tilespmem:$0x4400] =	vst v63  }
0x18: {  	_ = 	snop  }
0x19: {  	[tilespmem:s17], [sflag:$0x1] =	stream.linear.gather [hbm4b:s6+s2], $0x1400, $0x38;
	[tilespmem:$0x4400] =	vst v63  }
0x1a: {  	_ =	swait.ge [sflag:s18], $0x500  }
0x1b: {  	[sflag:s18] =	ssyncset.done $0x0  }
0x1c: {  	[sflag:s18] =	ssyncadd.s32 $0xFFFFFB00  }
0x1d: {  	_ =	swait.ge [sflag:s18], $0x280  }
0x1e: {  	[sflag:s18] =	ssyncset.done $0x0  }
0x1f: {  	[sflag:s18] =	ssyncadd.s32 $0xFFFFFD80  }
0x20: {  	_ =	swait.ge [sflag:s18], $0x2800  }
0x21: {  	[sflag:s18] =	ssyncset.done $0x0  }
0x22: {  	s22 =	sadd.s32 $0x0, s12;
	[sflag:s18] =	ssyncadd.s32 $0xFFFFD800  }
0x23: {  	s23 =	sadd.s32 $0x0, s11;
	p0 =	slt.s32 s22, $0x270;
	_ =	swait.ge [sflag:s18], $0x1400  }
0x24: {  	p1 =	slt.s32 s23, $0x270;
	s22 =	simm.s32 @!p0 $0x270;
	[sflag:s18] =	ssyncset.done $0x0  }
0x25: {  	s23 =	simm.s32 @!p1 $0x270;
	s24 =	sshll.u32 s22, $0x3;
	[sflag:s18] =	ssyncadd.s32 $0xFFFFEC00  }
0x26: {  	s26 =	sand.u32 $0xFFFFFC00, s24;
	v0 =	vld [tilespmem:s23+$0x4100]  }
0x27: {  	s22 =	sand.u32 $0x70, s22;
	s24 =	sshra.s32 s26, $0x2  }
0x28: {  	s24 =	sor.u32 s22, s24  }
0x29: {  	v1 =	vld [tilespmem:s24+$0x0]  }
0x2a: {  	v2 =	vld [tilespmem:s24+$0x80]  }
0x2b: {  	v3 =	vcvt.s32.f32 v0;
	_ =	sdelay $0x1  }
0x2c: {  	s22 =	sor.u32 s22, s26;
	v0 =	vadd.f32 v3, v3  }
0x2d: {  	v4 =	vld [tilespmem:s22+$0x800]  }
0x2e: {  	v5 =	vld [tilespmem:s22+$0x2D00];
	v1 =	vsub.f32 v2, v1;
	v0 =	vsub.f32 $1.000000000e+00, v0  }
0x2f: {  	v6 =	vld [tilespmem:s22+$0x880]  }
0x30: {  	v2 =	vmul.f32 v0, v1;
	v0 =	vld [tilespmem:s22+$0x2D80]  }
0x31: {  	v7 =	vld [tilespmem:s22+$0x1900]  }
0x32: {  	v8 =	vld [tilespmem:s22+$0x2E00];
	v1 =	vand.u32 $0x7FFFFFFF, v2  }
0x33: {  	v4 =	vsub.f32 v4, v5;
	v1 =	vsub.f32 $0.0e+00, v1  }
0x34: {  	v5 =	vld [tilespmem:s22+$0x1980]  }
0x35: {  	v9 =	vmul.f32 $4.500000000e+00, v4;
	v1 =	vmul.f32 $1.442695020e+00, v1;
	v0 =	vsub.f32 v6, v0;
	v6 =	vld [tilespmem:s22+$0x2E80];
	_ =	sdelay $0x1  }
0x36: {  	v7 =	vsub.f32 v7, v8;
	(erf) = vpow2.f32 v1;
	v1 =	vmul.f32 v9, v4  }
0x37: {  	v10 =	vld [tilespmem:s22+$0x1A00];
	v9 =	vmul.f32 $4.500000000e+00, v0;
	v4 =	vand.u32 $0x7FFFFFFF, v4;
	v8 =	vand.u32 $0x7FFFFFFF, v0  }
0x38: {  	v11 =	vld [tilespmem:s22+$0x2F00];
	v12 =	vadd.f32 $-5.555555600e-02, v4;
	v13 =	vadd.f32 $-5.555555600e-02, v8;
	vm0 =	vlt.f32 v4, $1.111111120e-01  }
0x39: {  	v4 =	vmul.f32 $4.500000000e+00, v7;
	v1 =	vadd.f32 $0.0e+00, v1;
	v5 =	vsub.f32 v5, v6  }
0x3a: {  	s23 =	sadd.s32 $0x10, s12;
	v14 =	vld [tilespmem:s22+$0x2F80];
	vm1 =	vlt.f32 v8, $1.111111120e-01;
	v0 =	vmul.f32 v9, v0;
	v6 =	vand.u32 $0x7FFFFFFF, v7  }
0x3b: {  	p0 =	slt.s32 s23, $0x270;
	v9 =	vld [tilespmem:s22+$0x1A80];
	s22 =	sadd.s32 $0x10, s11;
	v4 =	vmul.f32 v4, v7;
	v1 =	vsel vm0, v1, v12;
	v8 =	vmul.f32 $4.500000000e+00, v5  }
0x3c: {  	s23 =	simm.s32 @!p0 $0x270;
	p1 =	slt.s32 s22, $0x270;
	v0 =	vsel vm1, v0, v13;
	v7 =	vadd.f32 $-5.555555600e-02, v6;
	vm0 =	vlt.f32 v6, $1.111111120e-01  }
0x3d: {  	s29 =	sshll.u32 s23, $0x3;
	s22 =	simm.s32 @!p1 $0x270;
	v0 =	vadd.f32 v0, v1;
	v1 =	vsub.f32 v10, v11;
	v6 =	vand.u32 $0x7FFFFFFF, v5  }
0x3e: {  	s30 =	sand.u32 $0xFFFFFC00, s29;
	v10 =	vld [tilespmem:s22+$0x4100];
	v4 =	vsel vm0, v4, v7;
	v7 =	vadd.f32 $-5.555555600e-02, v6  }
0x3f: {  	s23 =	sand.u32 $0x70, s23;
	s24 =	sshra.s32 s30, $0x2;
	vm0 =	vlt.f32 v6, $1.111111120e-01;
	v5 =	vmul.f32 v8, v5;
	v11 =	vmul.f32 $4.500000000e+00, v1;
	v8 =	vpop (erf)  }
0x40: {  	s25 =	sor.u32 s23, s24;
	v9 =	vsub.f32 v9, v14;
	v0 =	vadd.f32 v4, v0;
	v12 =	vmul.f32 $-1.702961140e-02, v8  }
0x41: {  	v6 =	vld [tilespmem:s25+$0x0];
	v4 =	vand.u32 $0x7FFFFFFF, v1;
	v5 =	vsel vm0, v5, v7;
	v1 =	vmul.f32 v11, v1  }
0x42: {  	s31 =	sor.u32 s23, s30;
	v7 =	vld [tilespmem:s25+$0x80];
	v13 =	vmul.f32 $4.500000000e+00, v9;
	vm0 =	vlt.f32 v4, $1.111111120e-01;
	v11 =	vadd.f32 $8.152318000e-02, v12  }
0x43: {  	v5 =	vadd.f32 v5, v0;
	v0 =	vcvt.s32.f32 v10;
	v10 =	vld [tilespmem:s31+$0x800];
	v12 =	vadd.f32 $-5.555555600e-02, v4  }
0x44: {  	v14 =	vand.u32 $0x7FFFFFFF, v9;
	v9 =	vmul.f32 v13, v9;
	v13 =	vld [tilespmem:s31+$0x880];
	v11 =	vmul.f32 v11, v8  }
0x45: {  	v15 =	vadd.f32 $-5.555555600e-02, v14;
	v4 =	vld [tilespmem:s31+$0x2D00];
	v1 =	vsel vm0, v1, v12  }
0x46: {  	v12 =	vadd.f32 v0, v0;
	vm0 =	vlt.f32 v14, $1.111111120e-01;
	v14 =	vld [tilespmem:s31+$0x2D80];
	v11 =	vadd.f32 $-1.890195460e-01, v11  }
0x47: {  	v1 =	vadd.f32 v1, v5;
	v9 =	vsel vm0, v9, v15;
	v15 =	vld [tilespmem:s31+$0x2E00]  }
0x48: {  	v6 =	vsub.f32 v7, v6;
	v7 =	vsub.f32 $1.000000000e+00, v12;
	v12 =	vld [tilespmem:s31+$0x1900];
	v11 =	vmul.f32 v11, v8  }
0x49: {  	v1 =	vadd.f32 v9, v1  }
0x4a: {  	v5 =	vmul.f32 v7, v6;
	v6 =	vsub.f32 v10, v4;
	v7 =	vadd.f32 $3.150412740e-01, v11  }
0x4b: {  	v4 =	vimm.f32 $0.0e+00;
	v1 =	vmul.f32 v3, v1;
	v3 =	vsub.f32 v13, v14  }
0x4c: {  	v13 =	vld [tilespmem:s31+$0x2E80];
	v9 =	vand.u32 $0x7FFFFFFF, v5;
	v10 =	vmul.f32 $4.500000000e+00, v6;
	v7 =	vmul.f32 v7, v8  }
0x4d: {  	v11 =	vld [tilespmem:s31+$0x1980];
	v14 =	vand.u32 $0x7FFFFFFF, v6;
	v9 =	vsub.f32 $0.0e+00, v9;
	v12 =	vsub.f32 v12, v15  }
0x4e: {  	v15 =	vand.u32 $0x7FFFFFFF, v3;
	v16 =	vadd.f32 $-5.555555600e-02, v14;
	v7 =	vadd.f32 $-4.972033200e-01, v7  }
0x4f: {  	vm0 =	vlt.f32 v14, $1.111111120e-01;
	v6 =	vmul.f32 v10, v6;
	v9 =	vmul.f32 $1.442695020e+00, v9  }
0x50: {  	v17 =	vld [tilespmem:s31+$0x1A00];
	v10 =	vmul.f32 $4.500000000e+00, v3;
	v18 =	vadd.f32 $-5.555555600e-02, v15;
	v7 =	vmul.f32 v7, v8  }
0x51: {  	v19 =	vld [tilespmem:s31+$0x2F00];
	v20 =	vand.u32 $0x7FFFFFFF, v12;
	v6 =	vadd.f32 $0.0e+00, v6;
	(erf) = vpow2.f32 v9  }
0x52: {  	v3 =	vmul.f32 v10, v3;
	v10 =	vsub.f32 v11, v13;
	v11 =	vadd.f32 $9.998325700e-01, v7  }
0x53: {  	vm1 =	vlt.f32 v15, $1.111111120e-01;
	v14 =	vadd.f32 $-5.555555600e-02, v20;
	v9 =	vmul.f32 $4.500000000e+00, v12;
	v7 =	vld [tilespmem:s31+$0x1A80]  }
0x54: {  	s28 =	sadd.s32 $0x20, s11;
	v6 =	vsel vm0, v6, v16;
	v3 =	vsel vm1, v3, v18;
	v15 =	vmul.f32 v11, v8;
	v8 =	vld [tilespmem:s31+$0x2F80]  }
0x55: {  	s26 =	sadd.s32 $0x20, s12;
	s23 =	simm.s32 $0x10;
	s24 =	simm.s32 $0x0;
	vm0 =	vlt.f32 v20, $1.111111120e-01;
	v12 =	vmul.f32 v9, v12;
	v13 =	vmul.f32 $4.500000000e+00, v10  }
0x56: {  	p1 =	slt.s32 s26, $0x270;
	s22 =	simm.s32 $0x20;
	s25 =	simm.s32 $0x30;
	v9 =	vsub.f32 v17, v19;
	v11 =	vadd.f32 v3, v6;
	v3 =	vimm.f32 $0.0e+00  }
.LBB2_2:
0x57: {  	p0 =	sne.s32 s25, $0x270;
	p2 =	slt.s32 s28, $0x270;
	s26 =	simm.s32 @!p1 $0x270;
	v6 =	vsel vm0, v12, v14;
	v12 =	vand.u32 $0x7FFFFFFF, v10;
	v14 =	vadd.f32 $1.693662630e-06, v15  }
0x58: {  	v10 =	vmul.f32 v13, v10;
	v17 =	vmax.f32 v2, $0.0e+00;
	v2 =	vmovc v5;
	s28 =	simm.s32 @!p2 $0x270;
	s29 =	sshll.u32 s26, $0x3;
	v13 =	vadd.f32 $-5.555555600e-02, v12  }
0x59: {  	v7 =	vsub.f32 v7, v8;
	v16 =	vmul.f32 $4.500000000e+00, v9;
	v5 =	vld [tilespmem:s28+$0x4100];
	s28 =	sand.u32 $0xFFFFFC00, s29;
	s29 =	sadd.s32 s24, s8;
	v8 =	vadd.f32 v14, v17;
	s24 =	smov.u32 s23  }
0x5a: {  	v6 =	vadd.f32 v6, v11;
	vm0 =	vlt.f32 v12, $1.111111120e-01;
	v11 =	vand.u32 $0x7FFFFFFF, v9;
	s23 =	sand.u32 $0x70, s26;
	s26 =	sshra.s32 s28, $0x2;
	v15 =	vpop (erf);
	p1 =	slt.u32 s29, $0x4E20  }
0x5b: {  	v10 =	vsel vm0, v10, v13;
	s29 =	sor.u32 s23, s26;
	s26 =	sor.u32 s23, s28;
	v12 =	vmul.f32 $-1.702961140e-02, v15;
	v8 =	vpsel !p1, $0x0, v8;
	s23 =	smov.u32 s22  }
0x5c: {  	v14 =	vadd.f32 $-5.555555600e-02, v11;
	v9 =	vmul.f32 v16, v9;
	s22 =	smov.u32 s25;
	v13 =	vld [tilespmem:s29+$0x0];
	v4 =	vadd.f32 v8, v4  }
0x5d: {  	v6 =	vadd.f32 v10, v6;
	v10 =	vmul.f32 $4.500000000e+00, v7;
	v8 =	vld [tilespmem:s29+$0x80];
	v12 =	vadd.f32 $8.152318000e-02, v12  }
0x5e: {  	vm0 =	vlt.f32 v11, $1.111111120e-01;
	v16 =	vcvt.s32.f32 v5;
	v17 =	vld [tilespmem:s26+$0x800];
	v5 =	vand.u32 $0x7FFFFFFF, v7  }
0x5f: {  	v9 =	vsel vm0, v9, v14;
	v7 =	vmul.f32 v10, v7;
	v11 =	vld [tilespmem:s26+$0x2D00];
	v12 =	vmul.f32 v12, v15  }
0x60: {  	vm0 =	vlt.f32 v5, $1.111111120e-01;
	v5 =	vadd.f32 $-5.555555600e-02, v5;
	v10 =	vadd.f32 v16, v16;
	v14 =	vld [tilespmem:s26+$0x880]  }
0x61: {  	v1 =	vpsel !p1, $0x0, v1;
	v6 =	vadd.f32 v9, v6;
	v18 =	vld [tilespmem:s26+$0x2D80];
	v12 =	vadd.f32 $-1.890195460e-01, v12  }
0x62: {  	v5 =	vsel vm0, v7, v5;
	v8 =	vsub.f32 v8, v13;
	v9 =	vsub.f32 $1.000000000e+00, v10;
	v10 =	vld [tilespmem:s26+$0x1900]  }
0x63: {  	v3 =	vadd.f32 v1, v3;
	v6 =	vadd.f32 v5, v6;
	v7 =	vld [tilespmem:s26+$0x2E00];
	v12 =	vmul.f32 v12, v15  }
0x64: {  	v5 =	vmul.f32 v9, v8;
	v8 =	vsub.f32 v17, v11;
	v9 =	vld [tilespmem:s26+$0x1980]  }
0x65: {  	v1 =	vmul.f32 v0, v6;
	v0 =	vmov v16;
	v11 =	vld [tilespmem:s26+$0x2E80];
	v12 =	vadd.f32 $3.150412740e-01, v12  }
0x66: {  	v6 =	vand.u32 $0x7FFFFFFF, v5;
	v13 =	vmul.f32 $4.500000000e+00, v8;
	v14 =	vsub.f32 v14, v18;
	v16 =	vld [tilespmem:s26+$0x1A00]  }
0x67: {  	v17 =	vand.u32 $0x7FFFFFFF, v8;
	v6 =	vsub.f32 $0.0e+00, v6;
	v18 =	vld [tilespmem:s26+$0x2F00];
	v12 =	vmul.f32 v12, v15  }
0x68: {  	v8 =	vmul.f32 v13, v8;
	v13 =	vmul.f32 $4.500000000e+00, v14;
	v19 =	vsub.f32 v10, v7;
	v7 =	vld [tilespmem:s26+$0x1A80]  }
0x69: {  	v20 =	vand.u32 $0x7FFFFFFF, v14;
	v6 =	vmul.f32 $1.442695020e+00, v6;
	v10 =	vadd.f32 $-4.972033200e-01, v12  }
0x6a: {  	v12 =	vadd.f32 $-5.555555600e-02, v17;
	v21 =	vadd.f32 $0.0e+00, v8;
	v13 =	vmul.f32 v13, v14;
	v8 =	vld [tilespmem:s26+$0x2F80]  }
0x6b: {  	v14 =	vadd.f32 $-5.555555600e-02, v20;
	(erf) = vpow2.f32 v6;
	v6 =	vmul.f32 v10, v15  }
.Ltmp0:
0x6c: {  	vm0 =	vlt.f32 v17, $1.111111120e-01;
	v17 =	vmul.f32 $4.500000000e+00, v19;
	v10 =	vsub.f32 v9, v11;
	(pc) =	sbr.rel @p0 .LBB2_2-.Ltmp0, $4  }
0x6d: {  	vm1 =	vlt.f32 v20, $1.111111120e-01;
	v9 =	vand.u32 $0x7FFFFFFF, v19;
	v6 =	vadd.f32 $9.998325700e-01, v6  }
0x6e: {  	v11 =	vsel vm0, v21, v12;
	v20 =	vsel vm1, v13, v14;
	v12 =	vmul.f32 v17, v19  }
0x6f: {  	s26 =	sadd.s32 s25, s12;
	v14 =	vadd.f32 $-5.555555600e-02, v9;
	v13 =	vmul.f32 $4.500000000e+00, v10;
	v15 =	vmul.f32 v6, v15  }
0x70: {  	s28 =	sadd.s32 s22, s11;
	s25 =	sadd.s32 $0x10, s25;
	p1 =	slt.s32 s26, $0x270;
	vm0 =	vlt.f32 v9, $1.111111120e-01;
	v9 =	vsub.f32 v16, v18;
	v11 =	vadd.f32 v20, v11  }
0x71: {  	p0 =	slt.s32 s28, $0x270;
	s26 =	simm.s32 @!p1 $0x270  }
0x72: {  	s28 =	simm.s32 @!p0 $0x270;
	s25 =	sshll.u32 s26, $0x3  }
0x73: {  	v6 =	vld [tilespmem:s28+$0x4100];
	s25 =	sand.u32 $0xFFFFFC00, s25  }
0x74: {  	s26 =	sand.u32 $0x70, s26;
	s31 =	sshra.s32 s25, $0x2  }
0x75: {  	s28 =	sor.u32 s26, s31  }
0x76: {  	v16 =	vld [tilespmem:s28+$0x0]  }
0x77: {  	v17 =	vld [tilespmem:s28+$0x80]  }
0x78: {  	v6 =	vcvt.s32.f32 v6;
	_ =	sdelay $0x1  }
0x79: {  	v18 =	vadd.f32 v6, v6;
	_ =	sdelay $0x1  }
0x7a: {  	v16 =	vsub.f32 v17, v16;
	v49 =	vsub.f32 $1.000000000e+00, v18;
	_ =	sdelay $0x1  }
0x7b: {  	v16 =	vmul.f32 v49, v16;
	_ =	sdelay $0x1  }
0x7c: {  	v17 =	vand.u32 $0x7FFFFFFF, v16  }
0x7d: {  	v17 =	vsub.f32 $0.0e+00, v17;
	_ =	sdelay $0x1  }
0x7e: {  	v17 =	vmul.f32 $1.442695020e+00, v17  }
0x7f: {  	s25 =	sor.u32 s26, s25  }
0x80: {  	v57 =	vld [tilespmem:s25+$0x800];
	(erf) = vpow2.f32 v17  }
0x81: {  	v12 =	vsel vm0, v12, v14;
	v51 =	vand.u32 $0x7FFFFFFF, v10;
	v15 =	vadd.f32 $1.693662630e-06, v15;
	v58 =	vld [tilespmem:s25+$0x2D00]  }
0x82: {  	v52 =	vmul.f32 v13, v10;
	v2 =	vmax.f32 v2, $0.0e+00;
	v7 =	vsub.f32 v7, v8;
	v61 =	vld [tilespmem:s25+$0x880]  }
0x83: {  	v54 =	vadd.f32 $-5.555555600e-02, v51;
	v55 =	vmul.f32 $4.500000000e+00, v9;
	v11 =	vadd.f32 v12, v11;
	v19 =	vld [tilespmem:s25+$0x2D80]  }
0x84: {  	vm7 =	vlt.f32 v51, $1.111111120e-01;
	v56 =	vand.u32 $0x7FFFFFFF, v9;
	v2 =	vadd.f32 v15, v2;
	v24 =	vld [tilespmem:s25+$0x1900]  }
0x85: {  	s24 =	sadd.s32 s24, s8;
	v59 =	vadd.f32 $-5.555555600e-02, v56;
	v60 =	vmul.f32 $4.500000000e+00, v7;
	vm8 =	vlt.f32 v56, $1.111111120e-01;
	v25 =	vld [tilespmem:s25+$0x2E00]  }
0x86: {  	p5 =	slt.u32 s24, $0x4E20;
	v62 =	vand.u32 $0x7FFFFFFF, v7;
	v50 =	vpop (erf);
	v10 =	vsel vm7, v52, v54;
	v8 =	vmul.f32 v55, v9;
	v32 =	vld [tilespmem:s25+$0x1980]  }
0x87: {  	v63 =	vadd.f32 $-5.555555600e-02, v62;
	v53 =	vmul.f32 $-1.702961140e-02, v50;
	v10 =	vadd.f32 v10, v11;
	v34 =	vld [tilespmem:s25+$0x2E80]  }
0x88: {  	v7 =	vmul.f32 v60, v7;
	v2 =	vpsel !p5, $0x0, v2;
	v38 =	vld [tilespmem:s25+$0x1A00];
	v8 =	vsel vm8, v8, v59  }
0x89: {  	vm9 =	vlt.f32 v62, $1.111111120e-01;
	v40 =	vld [tilespmem:s25+$0x2F00];
	v2 =	vadd.f32 v2, v4;
	v8 =	vadd.f32 v8, v10;
	v20 =	vpop (erf)  }
0x8a: {  	v13 =	vadd.f32 $8.152318000e-02, v53;
	v7 =	vsel vm9, v7, v63;
	v21 =	vmul.f32 $-1.702961140e-02, v20  }
0x8b: {  	v28 =	vadd.f32 v7, v8;
	v9 =	vsub.f32 v57, v58  }
0x8c: {  	v13 =	vmul.f32 v13, v50;
	v30 =	vsub.f32 v61, v19;
	v27 =	vadd.f32 $8.152318000e-02, v21  }
0x8d: {  	v5 =	vmax.f32 v5, $0.0e+00;
	v33 =	vsub.f32 v24, v25;
	v10 =	vsub.f32 v32, v34  }
0x8e: {  	v48 =	vsub.f32 v38, v40;
	v13 =	vadd.f32 $-1.890195460e-01, v13;
	v31 =	vmul.f32 v27, v20  }
0x8f: {  	v29 =	vmul.f32 $4.500000000e+00, v9;
	v14 =	vand.u32 $0x7FFFFFFF, v9;
	v35 =	vmul.f32 $4.500000000e+00, v30  }
0x90: {  	v36 =	vand.u32 $0x7FFFFFFF, v30;
	v13 =	vmul.f32 v13, v50;
	v12 =	vadd.f32 $-1.890195460e-01, v31  }
0x91: {  	v41 =	vmul.f32 $4.500000000e+00, v33;
	v44 =	vand.u32 $0x7FFFFFFF, v33;
	v46 =	vmul.f32 $4.500000000e+00, v10  }
0x92: {  	v51 =	vmul.f32 $4.500000000e+00, v48;
	v26 =	vadd.f32 $3.150412740e-01, v13;
	v12 =	vmul.f32 v12, v20  }
0x93: {  	v52 =	vand.u32 $0x7FFFFFFF, v48;
	v37 =	vadd.f32 $-5.555555600e-02, v14;
	vm10 =	vlt.f32 v14, $1.111111120e-01  }
0x94: {  	v39 =	vadd.f32 $-5.555555600e-02, v36;
	v11 =	vmul.f32 v26, v50;
	v12 =	vadd.f32 $3.150412740e-01, v12  }
0x95: {  	vm11 =	vlt.f32 v36, $1.111111120e-01;
	v45 =	vadd.f32 $-5.555555600e-02, v44;
	v7 =	vmul.f32 v29, v9  }
0x96: {  	v42 =	vld [tilespmem:s25+$0x1A80];
	vm12 =	vlt.f32 v44, $1.111111120e-01;
	v11 =	vadd.f32 $-4.972033200e-01, v11;
	v12 =	vmul.f32 v12, v20  }
0x97: {  	v43 =	vld [tilespmem:s25+$0x2F80];
	v54 =	vadd.f32 $-5.555555600e-02, v52;
	v8 =	vmul.f32 v35, v30;
	v7 =	vadd.f32 $0.0e+00, v7  }
0x98: {  	vm14 =	vlt.f32 v52, $1.111111120e-01;
	v11 =	vmul.f32 v11, v50;
	v47 =	vadd.f32 $-4.972033200e-01, v12  }
0x99: {  	v9 =	vmul.f32 v41, v33;
	v8 =	vsel vm11, v8, v39;
	v7 =	vsel vm10, v7, v37  }
0x9a: {  	v7 =	vadd.f32 v8, v7;
	v11 =	vadd.f32 $9.998325700e-01, v11;
	v8 =	vmul.f32 v47, v20  }
0x9b: {  	v49 =	vand.u32 $0x7FFFFFFF, v10;
	v10 =	vmul.f32 v46, v10;
	v53 =	vmul.f32 v51, v48  }
0x9c: {  	v13 =	vsub.f32 v42, v43;
	v11 =	vmul.f32 v11, v50;
	v8 =	vadd.f32 $9.998325700e-01, v8  }
0x9d: {  	vm13 =	vlt.f32 v49, $1.111111120e-01;
	v9 =	vsel vm12, v9, v45;
	v57 =	vmax.f32 v16, $0.0e+00  }
0x9e: {  	v50 =	vadd.f32 $-5.555555600e-02, v49;
	v11 =	vadd.f32 $1.693662630e-06, v11;
	v8 =	vmul.f32 v8, v20  }
0x9f: {  	v55 =	vmul.f32 $4.500000000e+00, v13;
	v56 =	vand.u32 $0x7FFFFFFF, v13;
	v7 =	vadd.f32 v9, v7  }
0xa0: {  	s23 =	sadd.s32 s23, s8;
	v10 =	vsel vm13, v10, v50;
	v5 =	vadd.f32 v11, v5;
	v8 =	vadd.f32 $1.693662630e-06, v8  }
0xa1: {  	p6 =	slt.u32 s23, $0x4E20;
	v58 =	vadd.f32 $-5.555555600e-02, v56;
	v7 =	vadd.f32 v10, v7;
	v10 =	vmul.f32 v55, v13  }
0xa2: {  	s22 =	sadd.s32 s22, s8;
	v11 =	vsel vm14, v53, v54;
	v5 =	vpsel !p6, $0x0, v5;
	v8 =	vadd.f32 v8, v57  }
0xa3: {  	p2 =	slt.u32 s22, $0x4E20;
	vm15 =	vlt.f32 v56, $1.111111120e-01;
	v59 =	vadd.f32 v11, v7;
	v2 =	vadd.f32 v5, v2  }
0xa4: {  	v1 =	vpsel !p5, $0x0, v1;
	v60 =	vsel vm15, v10, v58;
	v8 =	vpsel !p2, $0x0, v8  }
0xa5: {  	v0 =	vmul.f32 v0, v28;
	v61 =	vadd.f32 v60, v59;
	v2 =	vadd.f32 v8, v2  }
0xa6: {  	v1 =	vadd.f32 v1, v3  }
0xa7: {  	v0 =	vpsel !p6, $0x0, v0;
	v62 =	vmul.f32 v6, v61;
	v2 =	vmul.f32 $4.999999870e-05, v2  }
0xa8: {  	v0 =	vadd.f32 v0, v1  }
0xa9: {  	v63 =	vpsel !p2, $0x0, v62;
	[tilespmem:$0x4380] =	vst v2  }
0xaa: {  	v0 =	vadd.f32 v63, v0;
	[hbm4b:s7+s2] =	stream.linear.scatter [tilespmem:s19], [sflag:$0x2], $0x10, $0x38;
	[tilespmem:$0x4400] =	vst v63  }
0xab: {  	_ =	swait.ge [sflag:s20], $0x10  }
0xac: {  	s21 =	sadd.s32 $0x1, s21;
	v0 =	vmul.f32 $4.999999870e-05, v0;
	[sflag:s20] =	ssyncset.done $0x0  }
0xad: {  	p0 =	sne.s32 s21, s10;
	[sflag:s20] =	ssyncadd.s32 $0xFFFFFFF0  }
.Ltmp1:
0xae: {  	[tilespmem:$0x4380] =	vst v0;
	(pc) =	sbr.rel @p0 .LBB2_1-.Ltmp1, $4  }
0xaf: {  	[hbm4b:s9+s2] =	stream.linear.scatter [tilespmem:s19], [sflag:$0x2], $0x10, $0x38;
	[tilespmem:$0x4400] =	vst v63  }
0xb0: {  	_ =	swait.ge [sflag:s20], $0x10  }
0xb1: {  	[sflag:s20] =	ssyncset.done $0x0  }
0xb2: {  	[sflag:s20] =	ssyncadd.s32 $0xFFFFFFF0  }
0xb3: {  	_ =	sfence.sel $0x180000  }
0xb4: {  	[bflag:$0x0] =	sbarrier.arrive $0xFFFF  }
0xb5: {  	p0 =	sne.s32 s0, $0x0;
	_ =	strace $0x90000047  }
0xb6: {  	s0 =	sadd.s32 @!p0 $0x100000, s1;
	[bflag:$0x2] =	sbarrier.arrive $0xFFFF  }
0xb7: {  	[sflag:s0] =	ssyncadd.tile.s32 @!p0 $0x1;
	_ =	shalt  }
.Lfunc_end2:
_tile_overlayer_lowered:
.L_overlay_start_2:
0xb8: {  	(tag) =	ssettag $0x2  }
0xb9: {  	s0 =	rddreg [dreg:$0x0];
	s2 =	stileid.u32  }
0xba: {  	s1 =	rddreg [dreg:$0x1];
	p0 =	sne.s32 s2, $0x0  }
0xbb: {  	s3 =	rddreg [dreg:$0x2];
	[bflag:$0x3] =	sbarrier.arrive $0xFFFF;
	s2 =	simm.s32 @!p0 $0x1C02  }
0xbc: {  	[timem:s3], [sflag:s2] =	dma.local @!p0 [hbm:s0], s1  }
0xbd: {  	s0 =	simm.s32 @!p0 $0x2  }
0xbe: {  	_ =	swait.ge @!p0 [sflag:s0], s1  }
0xbf: {  	s1 =	ssub.s32 @!p0 $0x0, s1;
	[sflag:s0] =	ssyncset.done @!p0 $0x0  }
0xc0: {  	[sflag:s0] =	ssyncadd.s32 @!p0 s1  }
0xc1: {  	[bflag:$0x3] =	sbarrier.arrive $0xFFFF  }
0xc2: {  	_ =	shalt  }

</sc_bundles>
